<compile_context>
chip_gen: v7x
topology: tpu7x:2x2x1
jax: 0.10.2.dev20260603
libtpu: 0.0.44.dev20260713+nightly
codegen_flags: <defaults>
</compile_context>

<pallas_src>
import functools

import jax
import jax.numpy as jnp
from jax import lax
from jax.experimental import pallas as pl
from jax.experimental.pallas import tpu as pltpu
from jax.experimental.pallas import tpu_sc as plsc

B = 4096
F_S = 26
F_D = 13
V = 100000
D = 32
FM = 16

NC = 2
NS = 16
NW = NC * NS
RPW = (B * F_S) // NW


def _sc_gather(idx, table_flat, fo_flat):
    mesh = plsc.VectorSubcoreMesh(
        core_axis_name="c", subcore_axis_name="s", num_cores=NC, num_subcores=NS
    )

    @functools.partial(
        pl.kernel,
        out_type=[
            jax.ShapeDtypeStruct((B * F_S, D), jnp.float32),
            jax.ShapeDtypeStruct((B * F_S,), jnp.float32),
        ],
        mesh=mesh,
        scratch_types=[
            pltpu.VMEM((RPW,), jnp.int32),
            pltpu.VMEM((RPW, D), jnp.float32),
            pltpu.VMEM((RPW,), jnp.float32),
            pltpu.SemaphoreType.DMA,
            pltpu.SemaphoreType.DMA,
        ],
        compiler_params=pltpu.CompilerParams(use_tc_tiling_on_sc=False),
    )
    def sc_kernel(idx_hbm, table_hbm, fo_hbm, emb_out, fo_out,
                  idx_v, rows_v, fo_v, sem_e, sem_f):
        w = lax.axis_index("s") * NC + lax.axis_index("c")
        base = w * RPW
        pltpu.sync_copy(idx_hbm.at[pl.ds(base, RPW)], idx_v)
        ce = pltpu.async_copy(table_hbm.at[idx_v], rows_v, sem_e)
        cf = pltpu.async_copy(fo_hbm.at[idx_v], fo_v, sem_f)
        ce.wait()
        pltpu.sync_copy(rows_v, emb_out.at[pl.ds(base, RPW)])
        cf.wait()
        pltpu.sync_copy(fo_v, fo_out.at[pl.ds(base, RPW)])

    return sc_kernel(idx, table_flat, fo_flat)


_BS = 512


def _tc_body(emb_ref, fo_ref, dense_ref, wbd_ref, e_ref, bflat_ref,
             dfo_ref, bias_ref, field_ref, flat_ref, fo_out_ref):
    emb = emb_ref[...]
    dense = dense_ref[...]
    proj = jnp.dot(emb, wbd_ref[...], preferred_element_type=jnp.float32)
    d208 = jnp.dot(dense, e_ref[...], preferred_element_type=jnp.float32)
    d208 = d208 + bflat_ref[...]
    field_ref[...] = jnp.concatenate([proj, d208], axis=1)
    flat_ref[...] = jnp.concatenate([emb, d208], axis=1)
    fo = jnp.sum(fo_ref[...], axis=1, keepdims=True)
    fo = fo + jnp.dot(dense, dfo_ref[...], preferred_element_type=jnp.float32)
    fo_out_ref[...] = fo + bias_ref[...]


def _tc_assemble(emb, fo_g, dense, wbd, e_mat, bflat, dfo, bias2):
    grid = B // _BS
    return pl.pallas_call(
        _tc_body,
        grid=(grid,),
        in_specs=[
            pl.BlockSpec((_BS, F_S * D), lambda i: (i, 0)),
            pl.BlockSpec((_BS, F_S), lambda i: (i, 0)),
            pl.BlockSpec((_BS, F_D), lambda i: (i, 0)),
            pl.BlockSpec((F_S * D, F_S * FM), lambda i: (0, 0)),
            pl.BlockSpec((F_D, F_D * FM), lambda i: (0, 0)),
            pl.BlockSpec((1, F_D * FM), lambda i: (0, 0)),
            pl.BlockSpec((F_D, 1), lambda i: (0, 0)),
            pl.BlockSpec((1, 1), lambda i: (0, 0)),
        ],
        out_specs=[
            pl.BlockSpec((_BS, (F_S + F_D) * FM), lambda i: (i, 0)),
            pl.BlockSpec((_BS, F_S * D + F_D * FM), lambda i: (i, 0)),
            pl.BlockSpec((_BS, 1), lambda i: (i, 0)),
        ],
        out_shape=[
            jax.ShapeDtypeStruct((B, (F_S + F_D) * FM), jnp.float32),
            jax.ShapeDtypeStruct((B, F_S * D + F_D * FM), jnp.float32),
            jax.ShapeDtypeStruct((B, 1), jnp.float32),
        ],
    )(emb, fo_g, dense, wbd, e_mat, bflat, dfo, bias2)


def kernel(sparse, dense, sparse_tables, sparse_fo, sparse_proj,
           dense_fo, dense_W, dense_b, bias):
    table_flat = sparse_tables.reshape(F_S * V, D)
    fo_flat = sparse_fo.reshape(F_S * V)
    offs = (jnp.arange(F_S, dtype=jnp.int32) * V)[None, :]
    idx = (sparse + offs).reshape(B * F_S)

    emb, fo_g = _sc_gather(idx, table_flat, fo_flat)
    emb = emb.reshape(B, F_S * D)
    fo_g = fo_g.reshape(B, F_S)

    wbd = (jnp.eye(F_S, dtype=jnp.float32)[:, None, :, None]
           * sparse_proj[:, :, None, :]).reshape(F_S * D, F_S * FM)
    e_mat = (jnp.eye(F_D, dtype=jnp.float32)[:, :, None]
             * dense_W[:, None, :]).reshape(F_D, F_D * FM)
    bflat = dense_b.reshape(1, F_D * FM)
    dfo = dense_fo.reshape(F_D, 1)
    bias2 = bias.reshape(1, 1)

    field624, flat1040, first_order = _tc_assemble(
        emb, fo_g, dense, wbd, e_mat, bflat, dfo, bias2)
    return (first_order, field624.reshape(B, F_S + F_D, FM), flat1040)

# --- scband reference (transcript-rebuilt; emitter-appended) ---
"""Pipeline reference for scband-feature-embedding-72593537237536 (READ-ONLY COPY).

The authoritative reference and input builder live on the scoring server;
editing this copy changes nothing except your own understanding.
"""

import jax, jax.numpy as jnp
import numpy as np

B = 4096
F_S = 26
F_D = 13
V = 100000
D = 32
FM = 16


def setup_inputs(seed: int = 0) -> dict:
    key = jax.random.key(seed)
    ks = jax.random.split(key, 9)
    sparse = jax.random.randint(ks[0], (B, F_S), 0, V)
    dense = jax.random.normal(ks[1], (B, F_D), dtype=jnp.float32)
    # per-field sparse embedding tables, stacked: (F_S, V, D); padding_idx=0 row zeroed
    sparse_tables = (jax.random.normal(ks[2], (F_S, V, D), dtype=jnp.float32) * 0.02).at[:, 0, :].set(0.0)
    # per-field first-order tables: (F_S, V, 1); padding_idx=0 row zeroed
    sparse_fo = (jax.random.normal(ks[3], (F_S, V, 1), dtype=jnp.float32) * 0.02).at[:, 0, :].set(0.0)
    # per-field projection D -> FM (bias=False)
    sparse_proj = jax.random.normal(ks[4], (F_S, D, FM), dtype=jnp.float32) * 0.05
    # dense first-order scalar weights (one per dense field)
    dense_fo = jax.random.normal(ks[5], (F_D,), dtype=jnp.float32) * 0.02
    # dense projection Linear(1, FM): weight vector (F_D, FM) + bias (F_D, FM)
    dense_W = jax.random.normal(ks[6], (F_D, FM), dtype=jnp.float32) * 0.05
    dense_b = jnp.zeros((F_D, FM), dtype=jnp.float32)
    bias = jnp.zeros((1,), dtype=jnp.float32)
    return {
        "sparse": sparse,
        "dense": dense,
        "sparse_tables": sparse_tables,
        "sparse_fo": sparse_fo,
        "sparse_proj": sparse_proj,
        "dense_fo": dense_fo,
        "dense_W": dense_W,
        "dense_b": dense_b,
        "bias": bias,
    }


def reference(sparse, dense, sparse_tables, sparse_fo, sparse_proj, dense_fo, dense_W, dense_b, bias):
    # sparse field lookups: gather per field -> (B, F_S, D)
    emb_s = jax.vmap(lambda tbl, idx: jnp.take(tbl, idx, axis=0), in_axes=(0, 1), out_axes=1)(sparse_tables, sparse)
    # sparse first-order lookups -> (B, F_S, 1)
    fo_s = jax.vmap(lambda tbl, idx: jnp.take(tbl, idx, axis=0), in_axes=(0, 1), out_axes=1)(sparse_fo, sparse)
    # project each sparse field D -> FM (embedding_dim != fm_embedding_dim)
    proj_s = jnp.einsum('bfd,fde->bfe', emb_s, sparse_proj)  # (B, F_S, FM)
    # dense fields: Linear(1, 16) per field -> (B, F_D, FM); embedding_dim == fm_dim so no fm projection
    emb_d = dense[:, :, None] * dense_W[None, :, :] + dense_b[None, :, :]
    fo_d = dense * dense_fo[None, :]  # (B, F_D)
    first_order = bias[None, :] + fo_s.sum(axis=1) + fo_d.sum(axis=1, keepdims=True)  # (B, 1)
    field_embeddings = jnp.concatenate([proj_s, emb_d], axis=1)  # (B, F_S + F_D, FM)
    flat_embeddings = jnp.concatenate(
        [emb_s.reshape(B, F_S * D), emb_d.reshape(B, F_D * FM)], axis=1
    )  # (B, 26*32 + 13*16) = (B, 1040)
    return (first_order, field_embeddings, flat_embeddings)

if __name__ == "__main__":
    import jax
    _d = setup_inputs()
    print(jax.jit(kernel)(*tuple(_d.values())))

</pallas_src>

<mosaic_0001>
#map = affine_map<(d0, d1) -> (0)>
#map1 = affine_map<(d0, d1) -> (0, 0)>
module attributes {stable_mosaic.version = 14 : i64} {
  func.func @sc_kernel(%arg0: i32, %arg1: i32, %arg2: memref<106496xi32, #tpu.memory_space<hbm>>, %arg3: memref<2600000x32xf32, #tpu.memory_space<hbm>>, %arg4: memref<2600000xf32, #tpu.memory_space<hbm>>, %arg5: memref<106496x32xf32, #tpu.memory_space<hbm>>, %arg6: memref<106496xf32, #tpu.memory_space<hbm>>, %arg7: memref<3328xi32, #tpu.memory_space<vmem>>, %arg8: memref<3328x32xf32, #tpu.memory_space<vmem>>, %arg9: memref<3328xf32, #tpu.memory_space<vmem>>, %arg10: memref<!tpu.dma_semaphore, #tpu.memory_space<semaphore_mem>>, %arg11: memref<!tpu.dma_semaphore, #tpu.memory_space<semaphore_mem>>) attributes {dimension_semantics = [#tpu.dimension_semantics<core_parallel>, #tpu.dimension_semantics<subcore_parallel>], iteration_bounds = array<i64: 2, 16>, scalar_prefetch = 0 : i64, scratch_operands = 5 : i64, tpu.core_type = #tpu.core_type<sc_vector_subcore>, window_params = [{transform_indices = #map}, {transform_indices = #map1}, {transform_indices = #map}, {transform_indices = #map1}, {transform_indices = #map}]} {
    %mul3A = arith.constant 2 : i32
    %mul3A_0 = arith.muli %arg1, %mul3A : i32
    %add3A = arith.addi %mul3A_0, %arg0 : i32
    %mul3A_1 = arith.constant 3328 : i32
    %mul3A_2 = arith.muli %add3A, %mul3A_1 : i32
    "tpu.region"() ({
      %run_scoped3A = tpu.sem_alloc : memref<!tpu.dma_semaphore, #tpu.memory_space<semaphore_mem>>
      %dma_start3A_11 = tpu.memref_slice %arg2[%mul3A_2] : memref<106496xi32, #tpu.memory_space<hbm>> -> memref<3328xi32, #tpu.memory_space<hbm>>
      %dma_start3A_12 = tpu.memref_slice %arg2[%mul3A_2] : memref<106496xi32, #tpu.memory_space<hbm>> -> memref<3328xi32, #tpu.memory_space<hbm>>
      tpu.enqueue_dma source(%dma_start3A_12 : memref<3328xi32, #tpu.memory_space<hbm>>) target(%arg7 : memref<3328xi32, #tpu.memory_space<vmem>>) target_semaphore(%run_scoped3A : memref<!tpu.dma_semaphore, #tpu.memory_space<semaphore_mem>>)
      %dma_wait3A_13 = tpu.memref_slice %arg2[%mul3A_2] : memref<106496xi32, #tpu.memory_space<hbm>> -> memref<3328xi32, #tpu.memory_space<hbm>>
      %dma_wait3A_14 = tpu.memref_slice %arg2[%mul3A_2] : memref<106496xi32, #tpu.memory_space<hbm>> -> memref<3328xi32, #tpu.memory_space<hbm>>
      tpu.wait_dma2 semaphore(%run_scoped3A : memref<!tpu.dma_semaphore, #tpu.memory_space<semaphore_mem>>) src(%dma_wait3A_14 : memref<3328xi32, #tpu.memory_space<hbm>>) dst(%arg7 : memref<3328xi32, #tpu.memory_space<vmem>>)
      tpu.yield
    }) : () -> ()
    %dma_start3A = arith.constant 0 : i32
    %dma_start3A_3 = arith.constant 0 : i32
    %dma_start3A_4 = tpu.memref_slice %arg3[%dma_start3A, %dma_start3A_3] : memref<2600000x32xf32, #tpu.memory_space<hbm>> -> memref<2600000x32xf32, #tpu.memory_space<hbm>>
    tpu.enqueue_indirect_dma source(%dma_start3A_4 : memref<2600000x32xf32, #tpu.memory_space<hbm>>) target(%arg8 : memref<3328x32xf32, #tpu.memory_space<vmem>>) offsets(%arg7 : memref<3328xi32, #tpu.memory_space<vmem>>) semaphore(%arg10 : memref<!tpu.dma_semaphore, #tpu.memory_space<semaphore_mem>>)
    %dma_start3A_5 = arith.constant 0 : i32
    %dma_start3A_6 = tpu.memref_slice %arg4[%dma_start3A_5] : memref<2600000xf32, #tpu.memory_space<hbm>> -> memref<2600000xf32, #tpu.memory_space<hbm>>
    tpu.enqueue_indirect_dma source(%dma_start3A_6 : memref<2600000xf32, #tpu.memory_space<hbm>>) target(%arg9 : memref<3328xf32, #tpu.memory_space<vmem>>) offsets(%arg7 : memref<3328xi32, #tpu.memory_space<vmem>>) semaphore(%arg11 : memref<!tpu.dma_semaphore, #tpu.memory_space<semaphore_mem>>)
    %dma_wait3A = arith.constant 0 : i32
    %dma_wait3A_7 = arith.constant 0 : i32
    %dma_wait3A_8 = tpu.memref_slice %arg3[%dma_wait3A, %dma_wait3A_7] : memref<2600000x32xf32, #tpu.memory_space<hbm>> -> memref<2600000x32xf32, #tpu.memory_space<hbm>>
    tpu.wait_indirect_dma semaphore(%arg10 : memref<!tpu.dma_semaphore, #tpu.memory_space<semaphore_mem>>) src(%dma_wait3A_8 : memref<2600000x32xf32, #tpu.memory_space<hbm>>) dst(%arg8 : memref<3328x32xf32, #tpu.memory_space<vmem>>)
    "tpu.region"() ({
      %run_scoped3A = tpu.sem_alloc : memref<!tpu.dma_semaphore, #tpu.memory_space<semaphore_mem>>
      %dma_start3A_11 = arith.constant 0 : i32
      %dma_start3A_12 = tpu.memref_slice %arg5[%mul3A_2, %dma_start3A_11] : memref<106496x32xf32, #tpu.memory_space<hbm>> -> memref<3328x32xf32, #tpu.memory_space<hbm>>
      %dma_start3A_13 = arith.constant 0 : i32
      %dma_start3A_14 = tpu.memref_slice %arg5[%mul3A_2, %dma_start3A_13] : memref<106496x32xf32, #tpu.memory_space<hbm>> -> memref<3328x32xf32, #tpu.memory_space<hbm>>
      tpu.enqueue_dma source(%arg8 : memref<3328x32xf32, #tpu.memory_space<vmem>>) target(%dma_start3A_14 : memref<3328x32xf32, #tpu.memory_space<hbm>>) target_semaphore(%run_scoped3A : memref<!tpu.dma_semaphore, #tpu.memory_space<semaphore_mem>>)
      %dma_wait3A_15 = arith.constant 0 : i32
      %dma_wait3A_16 = tpu.memref_slice %arg5[%mul3A_2, %dma_wait3A_15] : memref<106496x32xf32, #tpu.memory_space<hbm>> -> memref<3328x32xf32, #tpu.memory_space<hbm>>
      %dma_wait3A_17 = arith.constant 0 : i32
      %dma_wait3A_18 = tpu.memref_slice %arg5[%mul3A_2, %dma_wait3A_17] : memref<106496x32xf32, #tpu.memory_space<hbm>> -> memref<3328x32xf32, #tpu.memory_space<hbm>>
      tpu.wait_dma2 semaphore(%run_scoped3A : memref<!tpu.dma_semaphore, #tpu.memory_space<semaphore_mem>>) src(%arg8 : memref<3328x32xf32, #tpu.memory_space<vmem>>) dst(%dma_wait3A_18 : memref<3328x32xf32, #tpu.memory_space<hbm>>)
      tpu.yield
    }) : () -> ()
    %dma_wait3A_9 = arith.constant 0 : i32
    %dma_wait3A_10 = tpu.memref_slice %arg4[%dma_wait3A_9] : memref<2600000xf32, #tpu.memory_space<hbm>> -> memref<2600000xf32, #tpu.memory_space<hbm>>
    tpu.wait_indirect_dma semaphore(%arg11 : memref<!tpu.dma_semaphore, #tpu.memory_space<semaphore_mem>>) src(%dma_wait3A_10 : memref<2600000xf32, #tpu.memory_space<hbm>>) dst(%arg9 : memref<3328xf32, #tpu.memory_space<vmem>>)
    "tpu.region"() ({
      %run_scoped3A = tpu.sem_alloc : memref<!tpu.dma_semaphore, #tpu.memory_space<semaphore_mem>>
      %dma_start3A_11 = tpu.memref_slice %arg6[%mul3A_2] : memref<106496xf32, #tpu.memory_space<hbm>> -> memref<3328xf32, #tpu.memory_space<hbm>>
      %dma_start3A_12 = tpu.memref_slice %arg6[%mul3A_2] : memref<106496xf32, #tpu.memory_space<hbm>> -> memref<3328xf32, #tpu.memory_space<hbm>>
      tpu.enqueue_dma source(%arg9 : memref<3328xf32, #tpu.memory_space<vmem>>) target(%dma_start3A_12 : memref<3328xf32, #tpu.memory_space<hbm>>) target_semaphore(%run_scoped3A : memref<!tpu.dma_semaphore, #tpu.memory_space<semaphore_mem>>)
      %dma_wait3A_13 = tpu.memref_slice %arg6[%mul3A_2] : memref<106496xf32, #tpu.memory_space<hbm>> -> memref<3328xf32, #tpu.memory_space<hbm>>
      %dma_wait3A_14 = tpu.memref_slice %arg6[%mul3A_2] : memref<106496xf32, #tpu.memory_space<hbm>> -> memref<3328xf32, #tpu.memory_space<hbm>>
      tpu.wait_dma2 semaphore(%run_scoped3A : memref<!tpu.dma_semaphore, #tpu.memory_space<semaphore_mem>>) src(%arg9 : memref<3328xf32, #tpu.memory_space<vmem>>) dst(%dma_wait3A_14 : memref<3328xf32, #tpu.memory_space<hbm>>)
      tpu.yield
    }) : () -> ()
    return
  }
}

module attributes {stable_mosaic.version = 14 : i64} {
  func.func @_tc_body(%arg0: i32, %arg1: memref<512x832xf32, #tpu.memory_space<vmem>>, %arg2: memref<512x26xf32, #tpu.memory_space<vmem>>, %arg3: memref<512x13xf32, #tpu.memory_space<vmem>>, %arg4: memref<832x416xf32, #tpu.memory_space<vmem>>, %arg5: memref<13x208xf32, #tpu.memory_space<vmem>>, %arg6: memref<1x208xf32, #tpu.memory_space<vmem>>, %arg7: memref<13x1xf32, #tpu.memory_space<vmem>>, %arg8: memref<1x1xf32, #tpu.memory_space<vmem>>, %arg9: memref<512x624xf32, #tpu.memory_space<vmem>>, %arg10: memref<512x1040xf32, #tpu.memory_space<vmem>>, %arg11: memref<512x1xf32, #tpu.memory_space<vmem>>) attributes {dimension_semantics = [#tpu.dimension_semantics<arbitrary>], iteration_bounds = array<i64: 8>, scalar_prefetch = 0 : i64, scratch_operands = 0 : i64, tpu.core_type = #tpu.core_type<tc>, window_params = [{transform_indices = @transform_0, window_bounds = array<i64: 512, 832>}, {transform_indices = @transform_1, window_bounds = array<i64: 512, 26>}, {transform_indices = @transform_2, window_bounds = array<i64: 512, 13>}, {pipeline_mode = #tpu.pipeline_mode<synchronous>, transform_indices = @transform_3, window_bounds = array<i64: 832, 416>}, {pipeline_mode = #tpu.pipeline_mode<synchronous>, transform_indices = @transform_4, window_bounds = array<i64: 13, 208>}, {pipeline_mode = #tpu.pipeline_mode<synchronous>, transform_indices = @transform_5, window_bounds = array<i64: 1, 208>}, {pipeline_mode = #tpu.pipeline_mode<synchronous>, transform_indices = @transform_6, window_bounds = array<i64: 13, 1>}, {pipeline_mode = #tpu.pipeline_mode<synchronous>, transform_indices = @transform_7, window_bounds = array<i64: 1, 1>}, {transform_indices = @transform_8, window_bounds = array<i64: 512, 624>}, {transform_indices = @transform_9, window_bounds = array<i64: 512, 1040>}, {transform_indices = @transform_10, window_bounds = array<i64: 512, 1>}]} {
    %get3A = arith.constant 0 : index
    %get3A_0 = arith.constant 0 : index
    %get3A_1 = vector.load %arg1[%get3A, %get3A_0] : memref<512x832xf32, #tpu.memory_space<vmem>>, vector<512x832xf32>
    %get3A_2 = arith.constant 0 : index
    %get3A_3 = arith.constant 0 : index
    %get3A_4 = vector.load %arg3[%get3A_2, %get3A_3] : memref<512x13xf32, #tpu.memory_space<vmem>>, vector<512x13xf32>
    %get3A_5 = arith.constant 0 : index
    %get3A_6 = arith.constant 0 : index
    %get3A_7 = vector.load %arg4[%get3A_5, %get3A_6] : memref<832x416xf32, #tpu.memory_space<vmem>>, vector<832x416xf32>
    %dot_general3A = arith.constant dense<0.000000e+00> : vector<512x416xf32>
    %dot_general3A_8 = tpu.matmul %get3A_1, %get3A_7, %dot_general3A {dimension_numbers = #tpu.dot_dimension_numbers<[1], [0], [0], [1], [0, 0, 1, 1], [], []>, transpose_lhs_hint = false} : vector<512x832xf32>, vector<832x416xf32>, vector<512x416xf32> -> vector<512x416xf32>
    %get3A_9 = arith.constant 0 : index
    %get3A_10 = arith.constant 0 : index
    %get3A_11 = vector.load %arg5[%get3A_9, %get3A_10] : memref<13x208xf32, #tpu.memory_space<vmem>>, vector<13x208xf32>
    %dot_general3A_12 = arith.constant dense<0.000000e+00> : vector<512x208xf32>
    %dot_general3A_13 = tpu.matmul %get3A_4, %get3A_11, %dot_general3A_12 {dimension_numbers = #tpu.dot_dimension_numbers<[1], [0], [0], [1], [0, 0, 1, 1], [], []>, transpose_lhs_hint = false} : vector<512x13xf32>, vector<13x208xf32>, vector<512x208xf32> -> vector<512x208xf32>
    %get3A_14 = arith.constant 0 : index
    %get3A_15 = arith.constant 0 : index
    %get3A_16 = vector.load %arg6[%get3A_14, %get3A_15] : memref<1x208xf32, #tpu.memory_space<vmem>>, vector<1x208xf32>
    %add3A = vector.broadcast %get3A_16 : vector<1x208xf32> to vector<512x208xf32>
    %add3A_17 = arith.addf %dot_general3A_13, %add3A : vector<512x208xf32>
    %concatenate3A = tpu.concatenate %dot_general3A_8, %add3A_17 in 1 : vector<512x416xf32>, vector<512x208xf32> -> vector<512x624xf32>
    %swap3A = arith.constant 0 : index
    %swap3A_18 = arith.constant 0 : index
    %swap3A_19 = vector.load %arg9[%swap3A, %swap3A_18] : memref<512x624xf32, #tpu.memory_space<vmem>>, vector<512x624xf32>
    tpu.vector_store %arg9[%swap3A, %swap3A_18], %concatenate3A {strides = array<i32>} : memref<512x624xf32, #tpu.memory_space<vmem>>, vector<512x624xf32>,
    %concatenate3A_20 = tpu.concatenate %get3A_1, %add3A_17 in 1 : vector<512x832xf32>, vector<512x208xf32> -> vector<512x1040xf32>
    %swap3A_21 = arith.constant 0 : index
    %swap3A_22 = arith.constant 0 : index
    %swap3A_23 = vector.load %arg10[%swap3A_21, %swap3A_22] : memref<512x1040xf32, #tpu.memory_space<vmem>>, vector<512x1040xf32>
    tpu.vector_store %arg10[%swap3A_21, %swap3A_22], %concatenate3A_20 {strides = array<i32>} : memref<512x1040xf32, #tpu.memory_space<vmem>>, vector<512x1040xf32>,
    %get3A_24 = arith.constant 0 : index
    %get3A_25 = arith.constant 0 : index
    %get3A_26 = vector.load %arg2[%get3A_24, %get3A_25] : memref<512x26xf32, #tpu.memory_space<vmem>>, vector<512x26xf32>
    %reduce_sum3A = arith.constant dense<0.000000e+00> : vector<512xf32>
    %reduce_sum3A_27 = vector.multi_reduction <add>, %get3A_26, %reduce_sum3A [1] : vector<512x26xf32> to vector<512xf32>
    %broadcast_in_dim3A = vector.shape_cast %reduce_sum3A_27 : vector<512xf32> to vector<512x1xf32>
    %get3A_28 = arith.constant 0 : index
    %get3A_29 = arith.constant 0 : index
    %get3A_30 = vector.load %arg7[%get3A_28, %get3A_29] : memref<13x1xf32, #tpu.memory_space<vmem>>, vector<13x1xf32>
    %dot_general3A_31 = arith.constant dense<0.000000e+00> : vector<512x1xf32>
    %dot_general3A_32 = tpu.matmul %get3A_4, %get3A_30, %dot_general3A_31 {dimension_numbers = #tpu.dot_dimension_numbers<[1], [0], [0], [1], [0, 0, 1, 1], [], []>, transpose_lhs_hint = false} : vector<512x13xf32>, vector<13x1xf32>, vector<512x1xf32> -> vector<512x1xf32>
    %add3A_33 = arith.addf %broadcast_in_dim3A, %dot_general3A_32 : vector<512x1xf32>
    %get3A_34 = arith.constant 0 : index
    %get3A_35 = arith.constant 0 : index
    %get3A_36 = vector.load %arg8[%get3A_34, %get3A_35] : memref<1x1xf32, #tpu.memory_space<vmem>>, vector<1x1xf32>
    %add3A_37 = vector.broadcast %get3A_36 : vector<1x1xf32> to vector<512x1xf32>
    %add3A_38 = arith.addf %add3A_33, %add3A_37 : vector<512x1xf32>
    %swap3A_39 = arith.constant 0 : index
    %swap3A_40 = arith.constant 0 : index
    %swap3A_41 = vector.load %arg11[%swap3A_39, %swap3A_40] : memref<512x1xf32, #tpu.memory_space<vmem>>, vector<512x1xf32>
    tpu.vector_store %arg11[%swap3A_39, %swap3A_40], %add3A_38 {strides = array<i32>} : memref<512x1xf32, #tpu.memory_space<vmem>>, vector<512x1xf32>,
    return
  }
  func.func @transform_0(%arg0: i32) -> (i32, i32) {
    %c0_i32 = arith.constant 0 : i32
    %c0_i32_0 = arith.constant 0 : i32
    return %arg0, %c0_i32 : i32, i32
  }
  func.func @transform_1(%arg0: i32) -> (i32, i32) {
    %c0_i32 = arith.constant 0 : i32
    %c0_i32_0 = arith.constant 0 : i32
    return %arg0, %c0_i32 : i32, i32
  }
  func.func @transform_2(%arg0: i32) -> (i32, i32) {
    %c0_i32 = arith.constant 0 : i32
    %c0_i32_0 = arith.constant 0 : i32
    return %arg0, %c0_i32 : i32, i32
  }
  func.func @transform_3(%arg0: i32) -> (i32, i32) {
    %c0_i32 = arith.constant 0 : i32
    %c0_i32_0 = arith.constant 0 : i32
    %c0_i32_1 = arith.constant 0 : i32
    return %c0_i32, %c0_i32_0 : i32, i32
  }
  func.func @transform_4(%arg0: i32) -> (i32, i32) {
    %c0_i32 = arith.constant 0 : i32
    %c0_i32_0 = arith.constant 0 : i32
    %c0_i32_1 = arith.constant 0 : i32
    return %c0_i32, %c0_i32_0 : i32, i32
  }
  func.func @transform_5(%arg0: i32) -> (i32, i32) {
    %c0_i32 = arith.constant 0 : i32
    %c0_i32_0 = arith.constant 0 : i32
    %c0_i32_1 = arith.constant 0 : i32
    return %c0_i32, %c0_i32_0 : i32, i32
  }
  func.func @transform_6(%arg0: i32) -> (i32, i32) {
    %c0_i32 = arith.constant 0 : i32
    %c0_i32_0 = arith.constant 0 : i32
    %c0_i32_1 = arith.constant 0 : i32
    return %c0_i32, %c0_i32_0 : i32, i32
  }
  func.func @transform_7(%arg0: i32) -> (i32, i32) {
    %c0_i32 = arith.constant 0 : i32
    %c0_i32_0 = arith.constant 0 : i32
    %c0_i32_1 = arith.constant 0 : i32
    return %c0_i32, %c0_i32_0 : i32, i32
  }
  func.func @transform_8(%arg0: i32) -> (i32, i32) {
    %c0_i32 = arith.constant 0 : i32
    %c0_i32_0 = arith.constant 0 : i32
    return %arg0, %c0_i32 : i32, i32
  }
  func.func @transform_9(%arg0: i32) -> (i32, i32) {
    %c0_i32 = arith.constant 0 : i32
    %c0_i32_0 = arith.constant 0 : i32
    return %arg0, %c0_i32 : i32, i32
  }
  func.func @transform_10(%arg0: i32) -> (i32, i32) {
    %c0_i32 = arith.constant 0 : i32
    %c0_i32_0 = arith.constant 0 : i32
    return %arg0, %c0_i32 : i32, i32
  }
}

</mosaic_0001>

<sc_bundles>
// kernel: kernel.4.cloned.1.call-start
scs
__scs_entry_jumppad:
0x0: {  	(pc) =	sbr.rel $0x88, $3  }
0x1: {  	(tag) =	ssettag $0x0;
	lr =	simm.s32 $0x1  }
0x2: {  	[smem:$0x3F98] =	sst lr;
	_ =	strace $0xD0000000  }
0x3: {  	_ = 	snop  }
0x4: {  	_ = 	snop  }
0x5: {  	_ = 	snop  }
0x6: {  	_ = 	snop  }
0x7: {  	_ = 	snop  }
__scs_overlays_trampoline_lowered:
0x8: {  	[smem:$0x3FA7] =	sst s0  }
0x9: {  	[smem:$0x3FA8] =	sst s1  }
0xa: {  	[smem:$0x3FA9] =	sst s2  }
0xb: {  	[smem:$0x3FAA] =	sst s3  }
0xc: {  	[smem:$0x3FAB] =	sst s4  }
0xd: {  	[smem:$0x3FAC] =	sst s5  }
0xe: {  	[smem:$0x3FAD] =	sst s6  }
0xf: {  	[smem:$0x3FAE] =	sst s7  }
0x10: {  	[smem:$0x3FAF] =	sst s8  }
0x11: {  	[smem:$0x3FB0] =	sst s9;
	s0 =	simm.s32 @!p0 $0x0  }
0x12: {  	s1 =	sld [smem:$0x3F96];
	s0 =	simm.s32 @p0 $0x1  }
0x13: {  	[smem:$0x3FB1] =	sst s0;
	s0 =	simm.s32 @!p1 $0x0  }
0x14: {  	s2 =	sld [smem:$0x3F95];
	s0 =	simm.s32 @p1 $0x1  }
0x15: {  	[smem:$0x3FB2] =	sst s0;
	s0 =	simm.s32 @!p2 $0x0  }
0x16: {  	s3 =	sld [smem:$0x3FDB];
	s0 =	simm.s32 @p2 $0x1  }
0x17: {  	s4 =	simm.s32 $0x1BF5;
	[smem:$0x3FB4] =	sst s0  }
0x18: {  	s0 =	sld [smem:$0x3F97];
	_ =	swait.ge [sflag:s4], $0x0  }
0x19: {  	s7 =	sld [smem:$0x3F98]  }
0x1a: {  	s8 =	sadd.s32 $0xFFFFE003, lr  }
0x1b: {  	s9 =	sadd.s32 $0xFFFFFEF7, lr;
	s5 =	simm.s32 $0xFFFFFFFF;
	p2 =	slt.u32 s8, $0xFFFFF086  }
0x1c: {  	p1 =	slt.u32 s9, $0xF7A;
	s5 =	simm.s32 @!p2 $0x0  }
0x1d: {  	s5 =	simm.s32 @p1 $0x1;
	p0 =	seq.s32 s7, s2  }
0x1e: {  	s7 =	smul.u32 @!p0 $0xF7A, s2;
	p2 =	seq.s32 @!p0 s5, $0x0  }
0x1f: {  	s9 =	smul.u32 $0xF7A, s1;
	s8 =	simm.s32 @!p0 $0x1BF5;
	p2 =	por !p2, p0  }
0x20: {  	[sflag:s8] =	ssyncset.s32 @!p0 $0xFFFFF086;
	s6 =	sadd.s32 @!p0 s3, s7;
	s7 =	simm.s32 @!p0 $0x108  }
0x21: {  	s3 =	sadd.s32 s3, s9;
	s6 =	sadd.s32 @!p0 $0x88, s6;
	s7 =	simm.s32 @p2 $0x1082  }
0x22: {  	[simem:s7], [sflag:s8] =	dma.local @!p0 [hbm:s6], $0xF7A  }
0x23: {  	s9 =	sor.u32 $0xD0000000, s2;
	s6 =	simm.s32 $0x108;
	_ =	swait.ge @!p0 [sflag:s8], $0x0  }
0x24: {  	s3 =	sadd.s32 $0x88, s3;
	s6 =	simm.s32 @!p1 $0x1082;
	[sflag:s4] =	ssyncset.s32 $0xFFFFF086  }
0x25: {  	[simem:s6], [sflag:s4] =	dma.local [hbm:s3], $0xF7A  }
0x26: {  	[smem:$0x3F98] =	sst s1;
	(tag) =	ssettag s2;
	_ =	strace s9  }
0x27: {  	s1 =	sld [smem:$0x3FA8]  }
0x28: {  	s2 =	sld [smem:$0x3FA9]  }
0x29: {  	s4 =	sld [smem:$0x3FAB]  }
0x2a: {  	p0 =	seq.s32 s5, $0x0;
	s5 =	sld [smem:$0x3FAC]  }
0x2b: {  	s6 =	sld [smem:$0x3FAD]  }
0x2c: {  	s7 =	sld [smem:$0x3FAE]  }
0x2d: {  	s3 =	simm.s32 $0x108;
	s8 =	sld [smem:$0x3FAF]  }
0x2e: {  	s3 =	simm.s32 @!p0 $0x1082;
	s9 =	sld [smem:$0x3FB0]  }
0x2f: {  	lr =	sadd.s32 s0, s3;
	s0 =	sld [smem:$0x3FA7]  }
0x30: {  	s3 =	sld [smem:$0x3FAA]  }
0x31: {  	[smem:$0x3FB3] =	sst s10  }
0x32: {  	s10 =	sld [smem:$0x3FB1];
	_ =	sdelay $0x3  }
0x33: {  	p0 =	seq.s32 s10, $0x1;
	s10 =	sld [smem:$0x3FB3];
	_ =	sdelay $0x3  }
0x34: {  	[smem:$0x3FB3] =	sst s10  }
0x35: {  	s10 =	sld [smem:$0x3FB2];
	_ =	sdelay $0x3  }
0x36: {  	p1 =	seq.s32 s10, $0x1;
	s10 =	sld [smem:$0x3FB3];
	_ =	sdelay $0x3  }
0x37: {  	[smem:$0x3FB3] =	sst s10  }
0x38: {  	s10 =	sld [smem:$0x3FB4]  }
0x39: {  	_ = 	snop;
	(pc) =	sbr.ind lr, $3  }
0x3a: {  	_ = 	snop  }
0x3b: {  	_ = 	snop  }
0x3c: {  	p2 =	seq.s32 s10, $0x1;
	s10 =	sld [smem:$0x3FB3]  }
0x3d: {  	_ =	shalt  }
0x3e: {  	_ =	shalt  }
0x3f: {  	_ =	shalt  }
0x40: {  	_ =	shalt  }
0x41: {  	_ =	shalt  }
0x42: {  	_ =	shalt  }
0x43: {  	_ =	shalt  }
0x44: {  	_ =	shalt  }
0x45: {  	_ =	shalt  }
0x46: {  	_ =	shalt  }
0x47: {  	_ =	shalt  }
0x48: {  	_ =	shalt  }
0x49: {  	_ =	shalt  }
0x4a: {  	_ =	shalt  }
0x4b: {  	_ =	shalt  }
0x4c: {  	_ =	shalt  }
0x4d: {  	_ =	shalt  }
0x4e: {  	_ =	shalt  }
0x4f: {  	_ =	shalt  }
0x50: {  	_ =	shalt  }
0x51: {  	_ =	shalt  }
0x52: {  	_ =	shalt  }
0x53: {  	_ =	shalt  }
0x54: {  	_ =	shalt  }
0x55: {  	_ =	shalt  }
0x56: {  	_ =	shalt  }
0x57: {  	_ =	shalt  }
0x58: {  	_ =	shalt  }
0x59: {  	_ =	shalt  }
0x5a: {  	_ =	shalt  }
0x5b: {  	_ =	shalt  }
0x5c: {  	_ =	shalt  }
0x5d: {  	_ =	shalt  }
0x5e: {  	_ =	shalt  }
0x5f: {  	_ =	shalt  }
0x60: {  	_ =	shalt  }
0x61: {  	_ =	shalt  }
0x62: {  	_ =	shalt  }
0x63: {  	_ =	shalt  }
0x64: {  	_ =	shalt  }
0x65: {  	_ =	shalt  }
0x66: {  	_ =	shalt  }
0x67: {  	_ =	shalt  }
0x68: {  	_ =	shalt  }
0x69: {  	_ =	shalt  }
0x6a: {  	_ =	shalt  }
0x6b: {  	_ =	shalt  }
0x6c: {  	_ =	shalt  }
0x6d: {  	_ =	shalt  }
0x6e: {  	_ =	shalt  }
0x6f: {  	_ =	shalt  }
0x70: {  	_ =	shalt  }
0x71: {  	_ =	shalt  }
0x72: {  	_ =	shalt  }
0x73: {  	_ =	shalt  }
0x74: {  	_ =	shalt  }
0x75: {  	_ =	shalt  }
0x76: {  	_ =	shalt  }
0x77: {  	_ =	shalt  }
0x78: {  	_ =	shalt  }
0x79: {  	_ =	shalt  }
0x7a: {  	_ =	shalt  }
0x7b: {  	_ =	shalt  }
0x7c: {  	_ =	shalt  }
0x7d: {  	_ =	shalt  }
0x7e: {  	_ =	shalt  }
0x7f: {  	_ =	shalt  }
0x80: {  	_ =	shalt  }
0x81: {  	_ =	shalt  }
0x82: {  	_ =	shalt  }
0x83: {  	_ =	shalt  }
0x84: {  	_ =	shalt  }
0x85: {  	_ =	shalt  }
0x86: {  	_ =	shalt  }
0x87: {  	_ =	shalt  }
.Lfunc_end0:
.L_simem_size_0:
called_computation_lowered:
.L_overlay_start_0:
0x88: {  	s2 =	sld [smem:$0x3FD9]  }
0x89: {  	s3 =	sld [smem:$0x3FFE];
	_ =	sdelay $0x1  }
0x8a: {  	s1 =	srdreg.scid  }
0x8b: {  	s0 =	sand.u32 $0x1, s1  }
0x8c: {  	s14 =	sshll.u32 s0, $0xA;
	s2 =	sadd.s32 s3, s2  }
0x8d: {  	s2 =	sadd.s32 s2, s14  }
0x8e: {  	[smem:$0x3FBF] =	sst s2  }
0x8f: {  	_ = 	snop  }
0x90: {  	s2 =	sld [smem:$0x3FD0];
	_ =	sdelay $0x2  }
0x91: {  	s15 =	simm.s32 $0xA;
	s4 =	simm.s32 $0x10  }
0x92: {  	[smem:s4], [sflag:s15] =	dma.local [hbm:s2], $0x1  }
0x93: {  	_ =	swait.eq [sflag:s15], $0x1  }
0x94: {  	[sflag:s15] =	ssyncset.done $0x0  }
0x95: {  	s16 =	sld [smem:$0x11];
	[sflag:s15] =	ssyncadd.s32 $0xFFFFFFFF  }
0x96: {  	s17 =	sld [smem:$0x12];
	(tm) =	ssettm $0x1  }
0x97: {  	s18 =	sld [smem:$0x3FFB];
	_ =	sdelay $0x3  }
0x98: {  	_ =	strace s18  }
0x99: {  	s4 =	sld [smem:$0x3FFC];
	_ =	sdelay $0x3  }
0x9a: {  	_ =	strace s4  }
0x9b: {  	s4 =	sld [smem:$0x3FFD];
	_ =	sdelay $0x3  }
0x9c: {  	_ =	strace s4  }
0x9d: {  	_ =	strace $0x8FFFFFFF  }
0x9e: {  	s19 =	sld [smem:$0x3FDB];
	_ =	sdelay $0x1  }
0x9f: {  	s5 =	simm.s32 $_scs_section_size  }
0xa0: {  	s6 =	simm.s32 $_size__tile_overlayer_lowered;
	s7 =	simm.s32 $_tile_overlayer_lowered  }
0xa1: {  	s22 =	simm.s32 $0x1BFF;
	s21 =	sshll.u32 s7, $0x1;
	s4 =	sadd.s32 s5, s19  }
0xa2: {  	s8 =	simm.s32 $0x0;
	s20 =	sshll.u32 s6, $0x1;
	s6 =	sadd.s32 s21, s4  }
0xa3: {  	[timem:s8], [sflag:s22] =	dma.local [hbm:s6], s20  }
0xa4: {  	_ =	swait.ge [sflag:s22], s20  }
0xa5: {  	s5 =	ssub.s32 $0x0, s20;
	[sflag:s22] =	ssyncset.done $0x0  }
0xa6: {  	[sflag:s22] =	ssyncadd.s32 s5;
	_ =	sdelay $0x1  }
0xa7: {  	s23 =	simm.s32 $0x1B8B  }
0xa8: {  	_ =	swait.ge [sflag:s23], $0x1  }
0xa9: {  	[sflag:s23] =	ssyncset.done $0x0  }
0xaa: {  	s25 =	simm.s32 $0x1B8E;
	s24 =	sld [smem:$0x3FFE];
	[sflag:s23] =	ssyncadd.s32 $0xFFFFFFFF  }
0xab: {  	s26 =	simm.s32 $execute0_lowered;
	[smem:$0x3FD2] =	sst s25  }
0xac: {  	s6 =	sshll.u32 s26, $0x1;
	_ =	strace $0x80000046;
	[dreg:$0x1] =	wrdreg $0xFFFFFFFF  }
0xad: {  	s28 =	simm.s32 $_size_execute0_lowered;
	s4 =	sadd.s32 s4, s6;
	[dreg:$0x0] =	wrdreg $0x0  }
0xae: {  	s6 =	sshll.u32 s28, $0x1;
	[dreg:$0x2] =	wrdreg s4  }
0xaf: {  	[dreg:$0x3] =	wrdreg s6  }
0xb0: {  	[dreg:$0x4] =	wrdreg $0xC0  }
0xb1: {  	_ =	task [dreg:s8], $0x5FFFF  }
0xb2: {  	[dreg:$0x1] =	wrdreg $0xFFFFFFFF  }
0xb3: {  	[dreg:$0x0] =	wrdreg $0x60  }
0xb4: {  	[dreg:$0x2] =	wrdreg s16  }
0xb5: {  	[dreg:$0x3] =	wrdreg s24  }
0xb6: {  	[dreg:$0x4] =	wrdreg s17  }
0xb7: {  	[dreg:$0x5] =	wrdreg $0x9  }
0xb8: {  	_ =	task.clear_ibuf [dreg:s8], $0x6FFFF;
	_ =	strace $0x90000046  }
0xb9: {  	s29 =	simm.s32 $0x9;
	_ =	strace $0x80000048  }
0xba: {  	_ =	swait.ge [sflag:s29], $0x1  }
0xbb: {  	[sflag:s29] =	ssyncadd.s32 $0xFFFFFFFF  }
0xbc: {  	_ =	strace $0x90000048  }
0xbd: {  	_ =	sfence  }
0xbe: {  	s30 =	sld [smem:$0x0];
	_ =	sdelay $0x2  }
0xbf: {  	s31 =	sshll.u32 s1, $0xD;
	s1 =	sshrl.u32 s1, $0x2  }
0xc0: {  	s3 =	sand.u32 $0x4000, s31;
	s1 =	sadd.s32 s1, s30  }
0xc1: {  	s0 =	sor.u32 s3, s0;
	s1 =	sshll.u32 s1, $0x11  }
0xc2: {  	s0 =	sor.u32 s1, s0  }
0xc3: {  	s0 =	sadd.s32 $0x8F2B, s0  }
0xc4: {  	[sflag:s0] =	ssyncadd.remote.s32 $0x1  }
0xc5: {  	_ =	sfence.sel $0xFFFF  }
0xc6: {  	[dreg:$0x0] =	wrdreg $0xFFFFFFFF;
	(pc) =	sbr.abs _section_cstart, $3  }
0xc7: {  	[dreg:$0x1] =	wrdreg $0xFFFFFFFF  }
0xc8: {  	_ =	task.clear_ibuf [dreg:s8], $0x2FFFF;
	_ =	strace $0x9FFFFFFF  }
0xc9: {  	(tm) =	ssettm $0x7FFFFFFF  }
tec
execute0_lowered:
.L_overlay_start_1:
0x0: {  	(tag) =	ssettag $0x1  }
0x1: {  	s4 =	rddreg [dreg:$0x0]  }
0x2: {  	s1 =	srdreg.scid;
	s0 =	stileid.u32  }
0x3: {  	s12 =	rddreg [dreg:$0x1];
	s11 =	sand.u32 $0x1, s1;
	s30 =	sshll.u32 s0, $0x1  }
0x4: {  	s2 =	rddreg [dreg:$0x2];
	s8 =	sor.u32 s11, s30  }
0x5: {  	s3 =	simm.s32 $0x0;
	s1 =	rddreg [dreg:$0x3];
	s13 =	smul.u32 $0x1A0, s8  }
0x6: {  	[smem:$0x7FF] =	sst s3  }
0x7: {  	_ =	strace $0x80000047;
	s5 =	sadd.s32 s4, s13;
	s4 =	simm.s32 $0x3  }
0x8: {  	[tilespmem:s3], [sflag:$0x3] =	stream.linear.gather [hbm4b:s5+s3], $0xD00, $0x38;
	[tilespmem:$0x1BA00] =	vst v63  }
0x9: {  	_ =	swait.ge [sflag:s4], $0xD00  }
0xa: {  	[sflag:s4] =	ssyncset.done $0x0  }
0xb: {  	s7 =	simm.s32 $0xD00;
	s6 =	sadd.s32 $0x27ADC00, s12;
	[sflag:s4] =	ssyncadd.s32 $0xFFFFF300  }
0xc: {  	[tilespmem:s7], [sflag:$0x1] =	stream.indirect.gather [hbm4b:s6+s7], $0x20, s3, s7, $0xb8;
	[tilespmem:$0x1BA00] =	vst v63  }
0xd: {  	s9 =	simm.s32 $0x1;
	s10 =	smul.u32 $0x3400, s8;
	s8 =	simm.s32 $0x1AD00  }
0xe: {  	[tilespmem:s8], [sflag:$0x2] =	stream.indirect.gather [hbm4b:s2+s7], $0x1, s3, s7, $0xb8;
	[tilespmem:$0x1BA00] =	vst v63  }
0xf: {  	_ =	swait.ge [sflag:s9], $0x1A000  }
0x10: {  	s10 =	sadd.s32 s10, s12;
	[sflag:s9] =	ssyncset.done $0x0  }
0x11: {  	s14 =	ssub.s32 $0x2, s11;
	s10 =	sadd.s32 $0x1800, s10;
	[sflag:s9] =	ssyncadd.s32 $0xFFFE6000  }
0x12: {  	[hbm4b:s10+s3] =	stream.linear.scatter [tilespmem:s7], [sflag:$0x3], $0x1A000, $0x38;
	[tilespmem:$0x1BA00] =	vst v63  }
0x13: {  	s15 =	sshrl.u32 s14, $0x1;
	_ =	swait.ge [sflag:s4], $0x1A000  }
0x14: {  	s11 =	simm.s32 $0x2;
	s31 =	ssub.s32 s14, s15;
	[sflag:s4] =	ssyncset.done $0x0  }
0x15: {  	s12 =	sadd.s32 s13, s12;
	s13 =	smax.u32 s31, $0x1;
	[sflag:s4] =	ssyncadd.s32 $0xFFFE6000  }
0x16: {  	p0 =	sne.s32 s13, $0x1;
	_ =	swait.ge [sflag:s11], $0xD00  }
.Ltmp0:
0x17: {  	[sflag:s11] =	ssyncset.done $0x0;
	(pc) =	sbr.rel @!p0 .LBB2_2-.Ltmp0, $4  }
0x18: {  	s12 =	sadd.s32 $0x69800, s12;
	[sflag:s11] =	ssyncadd.s32 $0xFFFFF300  }
0x19: {  	[hbm4b:s12+s3] =	stream.linear.scatter [tilespmem:s8], [sflag:$0x3], $0xD00, $0x38;
	[tilespmem:$0x1BA00] =	vst v63  }
0x1a: {  	_ =	swait.ge [sflag:s4], $0xD00  }
0x1b: {  	s13 =	sadd.s32 $0xFFFFFFFF, s13;
	[sflag:s4] =	ssyncset.done $0x0  }
.LBB2_1:
0x1c: {  	p0 =	sne.s32 s13, $0x1;
	s13 =	sadd.s32 $0xFFFFFFFF, s13;
	[sflag:s4] =	ssyncadd.s32 $0xFFFFF300  }
0x1d: {  	[tilespmem:s3], [sflag:$0x3] =	stream.linear.gather [hbm4b:s5+s3], $0xD00, $0x38;
	[tilespmem:$0x1BA00] =	vst v63  }
0x1e: {  	_ =	swait.ge [sflag:s4], $0xD00  }
0x1f: {  	[sflag:s4] =	ssyncset.done $0x0  }
0x20: {  	[sflag:s4] =	ssyncadd.s32 $0xFFFFF300  }
0x21: {  	[tilespmem:s7], [sflag:$0x1] =	stream.indirect.gather [hbm4b:s6+s7], $0x20, s3, s7, $0xb8;
	[tilespmem:$0x1BA00] =	vst v63  }
0x22: {  	_ = 	snop  }
0x23: {  	[tilespmem:s8], [sflag:$0x2] =	stream.indirect.gather [hbm4b:s2+s7], $0x1, s3, s7, $0xb8;
	[tilespmem:$0x1BA00] =	vst v63  }
0x24: {  	_ =	swait.ge [sflag:s9], $0x1A000  }
0x25: {  	[sflag:s9] =	ssyncset.done $0x0  }
0x26: {  	[sflag:s9] =	ssyncadd.s32 $0xFFFE6000  }
0x27: {  	[hbm4b:s10+s3] =	stream.linear.scatter [tilespmem:s7], [sflag:$0x3], $0x1A000, $0x38;
	[tilespmem:$0x1BA00] =	vst v63  }
0x28: {  	_ =	swait.ge [sflag:s4], $0x1A000  }
0x29: {  	[sflag:s4] =	ssyncset.done $0x0  }
0x2a: {  	[sflag:s4] =	ssyncadd.s32 $0xFFFE6000  }
0x2b: {  	_ =	swait.ge [sflag:s11], $0xD00  }
.Ltmp1:
0x2c: {  	[sflag:s11] =	ssyncset.done $0x0;
	(pc) =	sbr.rel @p0 .LBB2_1-.Ltmp1, $4  }
0x2d: {  	[sflag:s11] =	ssyncadd.s32 $0xFFFFF300  }
0x2e: {  	[hbm4b:s12+s3] =	stream.linear.scatter [tilespmem:s8], [sflag:$0x3], $0xD00, $0x38;
	[tilespmem:$0x1BA00] =	vst v63  }
0x2f: {  	_ =	swait.ge [sflag:s4], $0xD00  }
0x30: {  	[sflag:s4] =	ssyncset.done $0x0  }
.LBB2_2:
0x31: {  	[sflag:s4] =	ssyncadd.s32 $0xFFFFF300  }
0x32: {  	_ =	sfence.sel $0x180000  }
0x33: {  	[bflag:$0x0] =	sbarrier.arrive $0xFFFF  }
0x34: {  	p0 =	sne.s32 s0, $0x0;
	_ =	strace $0x90000047  }
0x35: {  	s0 =	sadd.s32 @!p0 $0x100000, s1;
	[bflag:$0x2] =	sbarrier.arrive $0xFFFF  }
0x36: {  	[sflag:s0] =	ssyncadd.tile.s32 @!p0 $0x1;
	_ =	shalt  }
.Lfunc_end2:
_tile_overlayer_lowered:
.L_overlay_start_2:
0x37: {  	(tag) =	ssettag $0x2  }
0x38: {  	s0 =	rddreg [dreg:$0x0];
	s2 =	stileid.u32  }
0x39: {  	s1 =	rddreg [dreg:$0x1];
	p0 =	sne.s32 s2, $0x0  }
0x3a: {  	s3 =	rddreg [dreg:$0x2];
	[bflag:$0x3] =	sbarrier.arrive $0xFFFF;
	s2 =	simm.s32 @!p0 $0x1C03  }
0x3b: {  	[timem:s3], [sflag:s2] =	dma.local @!p0 [hbm:s0], s1  }
0x3c: {  	s0 =	simm.s32 @!p0 $0x3  }
0x3d: {  	_ =	swait.ge @!p0 [sflag:s0], s1  }
0x3e: {  	s1 =	ssub.s32 @!p0 $0x0, s1;
	[sflag:s0] =	ssyncset.done @!p0 $0x0  }
0x3f: {  	[sflag:s0] =	ssyncadd.s32 @!p0 s1  }
0x40: {  	[bflag:$0x3] =	sbarrier.arrive $0xFFFF  }
0x41: {  	_ =	shalt  }

</sc_bundles>
